<compile_context>
chip_gen: v7x
topology: tpu7x:2x2x1
jax: 0.10.2.dev20260603
libtpu: 0.0.44.dev20260713+nightly
codegen_flags: <defaults>
</compile_context>

<pallas_src>
import functools

import jax
import jax.numpy as jnp
from jax import lax
from jax.experimental import pallas as pl
from jax.experimental.pallas import tpu as pltpu
from jax.experimental.pallas import tpu_sc as plsc

_NC = 2
_NS = 16
_NW = _NC * _NS
_SEQ = 128
_NBUF = 2


@functools.lru_cache(maxsize=None)
def _build(b, l, d):
    mesh = plsc.VectorSubcoreMesh(core_axis_name="c", subcore_axis_name="s")

    tpc = 2 if l % 2 == 0 else 1
    n_sl = l // tpc

    @functools.partial(
        pl.kernel,
        mesh=mesh,
        out_type=jax.ShapeDtypeStruct((l, b, d), jnp.float32),
        scratch_types=[
            pltpu.VMEM((l, _SEQ), jnp.int32),
            pltpu.VMEM((_NBUF, tpc, _SEQ, d), jnp.float32),
            pltpu.SemaphoreType.DMA((_NBUF,)),
            pltpu.SemaphoreType.DMA((_NBUF,)),
        ],
    )
    def emb(idx_hbm, table_hbm, out_hbm, idx_v, rows_v, gsem, ssem):
        wid = lax.axis_index("s") * _NC + lax.axis_index("c")
        sbase = wid * _SEQ
        pltpu.sync_copy(idx_hbm.at[:, pl.ds(sbase, _SEQ)], idx_v)

        def gathers(s, start):
            bb = s % _NBUF
            for k in range(tpc):
                cp = pltpu.make_async_copy(
                    table_hbm.at[idx_v.at[s * tpc + k]],
                    rows_v.at[bb, k],
                    gsem.at[bb],
                )
                cp.start() if start else cp.wait()

        def store(s, start):
            bb = s % _NBUF
            cp = pltpu.make_async_copy(
                rows_v.at[bb],
                out_hbm.at[pl.ds(s * tpc, tpc), pl.ds(sbase, _SEQ)],
                ssem.at[bb],
            )
            cp.start() if start else cp.wait()

        gathers(0, start=True)

        def step(s, carry):
            @pl.when(s + 1 < n_sl)
            def _():
                gathers(s + 1, start=True)

            gathers(s, start=False)
            store(s, start=True)
            store(s, start=False)
            return carry

        lax.fori_loop(0, n_sl, step, 0)

    return emb


def kernel(token_idxs, table):
    b, l = token_idxs.shape
    v, d = table.shape
    idx_t = token_idxs.T.astype(jnp.int32)
    out = _build(b, l, d)(idx_t, table)
    return jnp.transpose(out, (1, 0, 2)).reshape(1, b, l, d)

# --- scband reference (transcript-rebuilt; emitter-appended) ---
"""Pipeline reference for scband-token-unit-embedder-86165633892788 (READ-ONLY COPY).

The authoritative reference and input builder live on the scoring server;
editing this copy changes nothing except your own understanding.
"""

import jax, jax.numpy as jnp
import numpy as np

VOCAB = 100000
EMBED = 128
B = 4096
L = 50

def setup_inputs(seed: int = 0) -> dict:
    key = jax.random.key(seed)
    k_idx, k_w = jax.random.split(key)
    token_idxs = jax.random.randint(k_idx, (B, L), 0, VOCAB, dtype=jnp.int64 if jax.config.read('jax_enable_x64') else jnp.int32)
    # xavier_uniform init for embedding table [VOCAB, EMBED]
    limit = float(np.sqrt(6.0 / (VOCAB + EMBED)))
    table = jax.random.uniform(k_w, (VOCAB, EMBED), dtype=jnp.float32, minval=-limit, maxval=limit)
    return {"token_idxs": token_idxs, "table": table}

def reference(token_idxs, table):
    # embedding lookup -> dropout (eval mode: identity) -> unsqueeze(0)
    emb = jnp.take(table, token_idxs, axis=0)  # [B, L, EMBED]
    return jnp.expand_dims(emb, 0)             # [1, B, L, EMBED]

if __name__ == "__main__":
    import jax
    _d = setup_inputs()
    print(jax.jit(kernel)(*tuple(_d.values())))

</pallas_src>

<mosaic_0001>
#map = affine_map<(d0, d1) -> (0, 0)>
#map1 = affine_map<(d0, d1) -> (0, 0, 0)>
module attributes {stable_mosaic.version = 14 : i64} {
  func.func @emb(%arg0: i32, %arg1: i32, %arg2: memref<50x4096xi32, #tpu.memory_space<hbm>>, %arg3: memref<100000x128xf32, #tpu.memory_space<hbm>>, %arg4: memref<50x4096x128xf32, #tpu.memory_space<hbm>>, %arg5: memref<50x128xi32, #tpu.memory_space<vmem>>, %arg6: memref<2x2x128x128xf32, #tpu.memory_space<vmem>>, %arg7: memref<2x!tpu.dma_semaphore, #tpu.memory_space<semaphore_mem>>, %arg8: memref<2x!tpu.dma_semaphore, #tpu.memory_space<semaphore_mem>>) attributes {dimension_semantics = [#tpu.dimension_semantics<core_parallel>, #tpu.dimension_semantics<subcore_parallel>], iteration_bounds = array<i64: 2, 16>, scalar_prefetch = 0 : i64, scratch_operands = 4 : i64, tpu.core_type = #tpu.core_type<sc_vector_subcore>, window_params = [{transform_indices = #map}, {transform_indices = #map}, {transform_indices = #map1}]} {
    %mul3A = arith.constant 2 : i32
    %mul3A_0 = arith.muli %arg1, %mul3A : i32
    %add3A = arith.addi %mul3A_0, %arg0 : i32
    %mul3A_1 = arith.constant 128 : i32
    %mul3A_2 = arith.muli %add3A, %mul3A_1 : i32
    "tpu.region"() ({
      %run_scoped3A = tpu.sem_alloc : memref<!tpu.dma_semaphore, #tpu.memory_space<semaphore_mem>>
      %dma_start3A_39 = arith.constant 0 : i32
      %dma_start3A_40 = tpu.memref_slice %arg2[%dma_start3A_39, %mul3A_2] : memref<50x4096xi32, #tpu.memory_space<hbm>> -> memref<50x128xi32, #tpu.memory_space<hbm>>
      %dma_start3A_41 = arith.constant 0 : i32
      %dma_start3A_42 = tpu.memref_slice %arg2[%dma_start3A_41, %mul3A_2] : memref<50x4096xi32, #tpu.memory_space<hbm>> -> memref<50x128xi32, #tpu.memory_space<hbm>>
      tpu.enqueue_dma source(%dma_start3A_42 : memref<50x128xi32, #tpu.memory_space<hbm>>) target(%arg5 : memref<50x128xi32, #tpu.memory_space<vmem>>) target_semaphore(%run_scoped3A : memref<!tpu.dma_semaphore, #tpu.memory_space<semaphore_mem>>)
      %dma_wait3A = arith.constant 0 : i32
      %dma_wait3A_43 = tpu.memref_slice %arg2[%dma_wait3A, %mul3A_2] : memref<50x4096xi32, #tpu.memory_space<hbm>> -> memref<50x128xi32, #tpu.memory_space<hbm>>
      %dma_wait3A_44 = arith.constant 0 : i32
      %dma_wait3A_45 = tpu.memref_slice %arg2[%dma_wait3A_44, %mul3A_2] : memref<50x4096xi32, #tpu.memory_space<hbm>> -> memref<50x128xi32, #tpu.memory_space<hbm>>
      tpu.wait_dma2 semaphore(%run_scoped3A : memref<!tpu.dma_semaphore, #tpu.memory_space<semaphore_mem>>) src(%dma_wait3A_45 : memref<50x128xi32, #tpu.memory_space<hbm>>) dst(%arg5 : memref<50x128xi32, #tpu.memory_space<vmem>>)
      tpu.yield
    }) : () -> ()
    %dma_start3A = arith.constant 0 : i32
    %dma_start3A_3 = arith.constant 0 : i32
    %dma_start3A_4 = arith.constant 0 : i32
    %dma_start3A_5 = arith.constant 0 : i32
    %dma_start3A_6 = arith.constant 0 : i32
    %dma_start3A_7 = arith.constant 0 : i32
    %dma_start3A_8 = tpu.memref_slice %arg6[%dma_start3A_3, %dma_start3A_4, %dma_start3A_6, %dma_start3A_7] : memref<2x2x128x128xf32, #tpu.memory_space<vmem>> -> memref<1x1x128x128xf32, #tpu.memory_space<vmem>>
    %dma_start3A_9 = tpu.memref_squeeze %dma_start3A_8 : memref<1x1x128x128xf32, #tpu.memory_space<vmem>> -> memref<128x128xf32, #tpu.memory_space<vmem>>
    %dma_start3A_10 = arith.constant 0 : i32
    %dma_start3A_11 = tpu.memref_slice %arg5[%dma_start3A, %dma_start3A_10] : memref<50x128xi32, #tpu.memory_space<vmem>> -> memref<1x128xi32, #tpu.memory_space<vmem>>
    %dma_start3A_12 = tpu.memref_squeeze %dma_start3A_11 : memref<1x128xi32, #tpu.memory_space<vmem>> -> memref<128xi32, #tpu.memory_space<vmem>>
    %dma_start3A_13 = arith.constant 0 : i32
    %dma_start3A_14 = arith.constant 0 : i32
    %dma_start3A_15 = tpu.memref_slice %arg3[%dma_start3A_13, %dma_start3A_14] : memref<100000x128xf32, #tpu.memory_space<hbm>> -> memref<100000x128xf32, #tpu.memory_space<hbm>>
    %dma_start3A_16 = tpu.memref_slice %arg7[%dma_start3A_5] : memref<2x!tpu.dma_semaphore, #tpu.memory_space<semaphore_mem>> -> memref<1x!tpu.dma_semaphore, #tpu.memory_space<semaphore_mem>>
    %dma_start3A_17 = tpu.memref_squeeze %dma_start3A_16 : memref<1x!tpu.dma_semaphore, #tpu.memory_space<semaphore_mem>> -> memref<!tpu.dma_semaphore, #tpu.memory_space<semaphore_mem>>
    tpu.enqueue_indirect_dma source(%dma_start3A_15 : memref<100000x128xf32, #tpu.memory_space<hbm>>) target(%dma_start3A_9 : memref<128x128xf32, #tpu.memory_space<vmem>>) offsets(%dma_start3A_12 : memref<128xi32, #tpu.memory_space<vmem>>) semaphore(%dma_start3A_17 : memref<!tpu.dma_semaphore, #tpu.memory_space<semaphore_mem>>)
    %dma_start3A_18 = arith.constant 1 : i32
    %dma_start3A_19 = arith.constant 0 : i32
    %dma_start3A_20 = arith.constant 1 : i32
    %dma_start3A_21 = arith.constant 0 : i32
    %dma_start3A_22 = arith.constant 0 : i32
    %dma_start3A_23 = arith.constant 0 : i32
    %dma_start3A_24 = tpu.memref_slice %arg6[%dma_start3A_19, %dma_start3A_20, %dma_start3A_22, %dma_start3A_23] : memref<2x2x128x128xf32, #tpu.memory_space<vmem>> -> memref<1x1x128x128xf32, #tpu.memory_space<vmem>>
    %dma_start3A_25 = tpu.memref_squeeze %dma_start3A_24 : memref<1x1x128x128xf32, #tpu.memory_space<vmem>> -> memref<128x128xf32, #tpu.memory_space<vmem>>
    %dma_start3A_26 = arith.constant 0 : i32
    %dma_start3A_27 = tpu.memref_slice %arg5[%dma_start3A_18, %dma_start3A_26] : memref<50x128xi32, #tpu.memory_space<vmem>> -> memref<1x128xi32, #tpu.memory_space<vmem>>
    %dma_start3A_28 = tpu.memref_squeeze %dma_start3A_27 : memref<1x128xi32, #tpu.memory_space<vmem>> -> memref<128xi32, #tpu.memory_space<vmem>>
    %dma_start3A_29 = arith.constant 0 : i32
    %dma_start3A_30 = arith.constant 0 : i32
    %dma_start3A_31 = tpu.memref_slice %arg3[%dma_start3A_29, %dma_start3A_30] : memref<100000x128xf32, #tpu.memory_space<hbm>> -> memref<100000x128xf32, #tpu.memory_space<hbm>>
    %dma_start3A_32 = tpu.memref_slice %arg7[%dma_start3A_21] : memref<2x!tpu.dma_semaphore, #tpu.memory_space<semaphore_mem>> -> memref<1x!tpu.dma_semaphore, #tpu.memory_space<semaphore_mem>>
    %dma_start3A_33 = tpu.memref_squeeze %dma_start3A_32 : memref<1x!tpu.dma_semaphore, #tpu.memory_space<semaphore_mem>> -> memref<!tpu.dma_semaphore, #tpu.memory_space<semaphore_mem>>
    tpu.enqueue_indirect_dma source(%dma_start3A_31 : memref<100000x128xf32, #tpu.memory_space<hbm>>) target(%dma_start3A_25 : memref<128x128xf32, #tpu.memory_space<vmem>>) offsets(%dma_start3A_28 : memref<128xi32, #tpu.memory_space<vmem>>) semaphore(%dma_start3A_33 : memref<!tpu.dma_semaphore, #tpu.memory_space<semaphore_mem>>)
    %scan3A = arith.constant 0 : i32
    %scan3A_34 = arith.constant 0 : i32
    %scan3A_35 = arith.constant 25 : i32
    %scan3A_36 = arith.addi %scan3A_34, %scan3A_35 : i32
    %scan3A_37 = arith.constant 1 : i32
    scf.for %scan3A_39 = %scan3A_34 to %scan3A_36 step %scan3A_37  : i32 {
      %add3A_40 = arith.constant 1 : i32
      %add3A_41 = arith.addi %scan3A_39, %add3A_40 : i32
      %lt3A = arith.constant 25 : i32
      %lt3A_42 = arith.cmpi slt, %add3A_41, %lt3A : i32
      %convert_element_type3A = arith.extui %lt3A_42 : i1 to i32
      %cond3A = arith.constant 0 : i32
      %cond3A_43 = arith.cmpi ne, %convert_element_type3A, %cond3A : i32
      scf.if %cond3A_43 {
        %add3A_155 = arith.constant 1 : i32
        %add3A_156 = arith.addi %scan3A_39, %add3A_155 : i32
        %jit3A_157 = arith.constant 2 : i32
        %eq3A_158 = arith.constant 0 : i32
        %eq3A_159 = arith.cmpi eq, %jit3A_157, %eq3A_158 : i32
        %jit3A_160 = arith.constant 1 : i32
        %select_n3A_161 = arith.select %eq3A_159, %jit3A_160, %jit3A_157 : i32
        %rem3A_162 = arith.remsi %add3A_156, %select_n3A_161 : i32
        %ne3A_163 = arith.constant 0 : i32
        %ne3A_164 = arith.cmpi ne, %rem3A_162, %ne3A_163 : i32
        %lt3A_165 = arith.constant 0 : i32
        %lt3A_166 = arith.cmpi slt, %rem3A_162, %lt3A_165 : i32
        %lt3A_167 = arith.constant 0 : i32
        %lt3A_168 = arith.cmpi slt, %select_n3A_161, %lt3A_167 : i32
        %ne3A_169 = arith.xori %lt3A_166, %lt3A_168 : i1
        %and3A_170 = arith.andi %ne3A_169, %ne3A_164 : i1
        %add3A_171 = arith.addi %rem3A_162, %select_n3A_161 : i32
        %select_n3A_172 = arith.select %and3A_170, %add3A_171, %rem3A_162 : i32
        %mul3A_173 = arith.constant 2 : i32
        %mul3A_174 = arith.muli %add3A_156, %mul3A_173 : i32
        %add3A_175 = arith.constant 0 : i32
        %add3A_176 = arith.addi %mul3A_174, %add3A_175 : i32
        %dma_start3A_177 = arith.constant 0 : i32
        %dma_start3A_178 = arith.constant 0 : i32
        %dma_start3A_179 = arith.constant 0 : i32
        %dma_start3A_180 = tpu.memref_slice %arg6[%select_n3A_172, %dma_start3A_177, %dma_start3A_178, %dma_start3A_179] : memref<2x2x128x128xf32, #tpu.memory_space<vmem>> -> memref<1x1x128x128xf32, #tpu.memory_space<vmem>>
        %dma_start3A_181 = tpu.memref_squeeze %dma_start3A_180 : memref<1x1x128x128xf32, #tpu.memory_space<vmem>> -> memref<128x128xf32, #tpu.memory_space<vmem>>
        %dma_start3A_182 = arith.constant 0 : i32
        %dma_start3A_183 = tpu.memref_slice %arg5[%add3A_176, %dma_start3A_182] : memref<50x128xi32, #tpu.memory_space<vmem>> -> memref<1x128xi32, #tpu.memory_space<vmem>>
        %dma_start3A_184 = tpu.memref_squeeze %dma_start3A_183 : memref<1x128xi32, #tpu.memory_space<vmem>> -> memref<128xi32, #tpu.memory_space<vmem>>
        %dma_start3A_185 = arith.constant 0 : i32
        %dma_start3A_186 = arith.constant 0 : i32
        %dma_start3A_187 = tpu.memref_slice %arg3[%dma_start3A_185, %dma_start3A_186] : memref<100000x128xf32, #tpu.memory_space<hbm>> -> memref<100000x128xf32, #tpu.memory_space<hbm>>
        %dma_start3A_188 = tpu.memref_slice %arg7[%select_n3A_172] : memref<2x!tpu.dma_semaphore, #tpu.memory_space<semaphore_mem>> -> memref<1x!tpu.dma_semaphore, #tpu.memory_space<semaphore_mem>>
        %dma_start3A_189 = tpu.memref_squeeze %dma_start3A_188 : memref<1x!tpu.dma_semaphore, #tpu.memory_space<semaphore_mem>> -> memref<!tpu.dma_semaphore, #tpu.memory_space<semaphore_mem>>
        tpu.enqueue_indirect_dma source(%dma_start3A_187 : memref<100000x128xf32, #tpu.memory_space<hbm>>) target(%dma_start3A_181 : memref<128x128xf32, #tpu.memory_space<vmem>>) offsets(%dma_start3A_184 : memref<128xi32, #tpu.memory_space<vmem>>) semaphore(%dma_start3A_189 : memref<!tpu.dma_semaphore, #tpu.memory_space<semaphore_mem>>)
        %mul3A_190 = arith.constant 2 : i32
        %mul3A_191 = arith.muli %add3A_156, %mul3A_190 : i32
        %add3A_192 = arith.constant 1 : i32
        %add3A_193 = arith.addi %mul3A_191, %add3A_192 : i32
        %dma_start3A_194 = arith.constant 1 : i32
        %dma_start3A_195 = arith.constant 0 : i32
        %dma_start3A_196 = arith.constant 0 : i32
        %dma_start3A_197 = tpu.memref_slice %arg6[%select_n3A_172, %dma_start3A_194, %dma_start3A_195, %dma_start3A_196] : memref<2x2x128x128xf32, #tpu.memory_space<vmem>> -> memref<1x1x128x128xf32, #tpu.memory_space<vmem>>
        %dma_start3A_198 = tpu.memref_squeeze %dma_start3A_197 : memref<1x1x128x128xf32, #tpu.memory_space<vmem>> -> memref<128x128xf32, #tpu.memory_space<vmem>>
        %dma_start3A_199 = arith.constant 0 : i32
        %dma_start3A_200 = tpu.memref_slice %arg5[%add3A_193, %dma_start3A_199] : memref<50x128xi32, #tpu.memory_space<vmem>> -> memref<1x128xi32, #tpu.memory_space<vmem>>
        %dma_start3A_201 = tpu.memref_squeeze %dma_start3A_200 : memref<1x128xi32, #tpu.memory_space<vmem>> -> memref<128xi32, #tpu.memory_space<vmem>>
        %dma_start3A_202 = arith.constant 0 : i32
        %dma_start3A_203 = arith.constant 0 : i32
        %dma_start3A_204 = tpu.memref_slice %arg3[%dma_start3A_202, %dma_start3A_203] : memref<100000x128xf32, #tpu.memory_space<hbm>> -> memref<100000x128xf32, #tpu.memory_space<hbm>>
        %dma_start3A_205 = tpu.memref_slice %arg7[%select_n3A_172] : memref<2x!tpu.dma_semaphore, #tpu.memory_space<semaphore_mem>> -> memref<1x!tpu.dma_semaphore, #tpu.memory_space<semaphore_mem>>
        %dma_start3A_206 = tpu.memref_squeeze %dma_start3A_205 : memref<1x!tpu.dma_semaphore, #tpu.memory_space<semaphore_mem>> -> memref<!tpu.dma_semaphore, #tpu.memory_space<semaphore_mem>>
        tpu.enqueue_indirect_dma source(%dma_start3A_204 : memref<100000x128xf32, #tpu.memory_space<hbm>>) target(%dma_start3A_198 : memref<128x128xf32, #tpu.memory_space<vmem>>) offsets(%dma_start3A_201 : memref<128xi32, #tpu.memory_space<vmem>>) semaphore(%dma_start3A_206 : memref<!tpu.dma_semaphore, #tpu.memory_space<semaphore_mem>>)
      } else {
      }
      %jit3A = arith.constant 2 : i32
      %eq3A = arith.constant 0 : i32
      %eq3A_44 = arith.cmpi eq, %jit3A, %eq3A : i32
      %jit3A_45 = arith.constant 1 : i32
      %select_n3A = arith.select %eq3A_44, %jit3A_45, %jit3A : i32
      %rem3A = arith.remsi %scan3A_39, %select_n3A : i32
      %ne3A = arith.constant 0 : i32
      %ne3A_46 = arith.cmpi ne, %rem3A, %ne3A : i32
      %lt3A_47 = arith.constant 0 : i32
      %lt3A_48 = arith.cmpi slt, %rem3A, %lt3A_47 : i32
      %lt3A_49 = arith.constant 0 : i32
      %lt3A_50 = arith.cmpi slt, %select_n3A, %lt3A_49 : i32
      %ne3A_51 = arith.xori %lt3A_48, %lt3A_50 : i1
      %and3A = arith.andi %ne3A_51, %ne3A_46 : i1
      %add3A_52 = arith.addi %rem3A, %select_n3A : i32
      %select_n3A_53 = arith.select %and3A, %add3A_52, %rem3A : i32
      %mul3A_54 = arith.constant 2 : i32
      %mul3A_55 = arith.muli %scan3A_39, %mul3A_54 : i32
      %add3A_56 = arith.constant 0 : i32
      %add3A_57 = arith.addi %mul3A_55, %add3A_56 : i32
      %dma_wait3A = arith.constant 0 : i32
      %dma_wait3A_58 = arith.constant 0 : i32
      %dma_wait3A_59 = arith.constant 0 : i32
      %dma_wait3A_60 = tpu.memref_slice %arg6[%select_n3A_53, %dma_wait3A, %dma_wait3A_58, %dma_wait3A_59] : memref<2x2x128x128xf32, #tpu.memory_space<vmem>> -> memref<1x1x128x128xf32, #tpu.memory_space<vmem>>
      %dma_wait3A_61 = tpu.memref_squeeze %dma_wait3A_60 : memref<1x1x128x128xf32, #tpu.memory_space<vmem>> -> memref<128x128xf32, #tpu.memory_space<vmem>>
      %dma_wait3A_62 = arith.constant 0 : i32
      %dma_wait3A_63 = tpu.memref_slice %arg5[%add3A_57, %dma_wait3A_62] : memref<50x128xi32, #tpu.memory_space<vmem>> -> memref<1x128xi32, #tpu.memory_space<vmem>>
      %dma_wait3A_64 = tpu.memref_squeeze %dma_wait3A_63 : memref<1x128xi32, #tpu.memory_space<vmem>> -> memref<128xi32, #tpu.memory_space<vmem>>
      %dma_wait3A_65 = arith.constant 0 : i32
      %dma_wait3A_66 = arith.constant 0 : i32
      %dma_wait3A_67 = tpu.memref_slice %arg3[%dma_wait3A_65, %dma_wait3A_66] : memref<100000x128xf32, #tpu.memory_space<hbm>> -> memref<100000x128xf32, #tpu.memory_space<hbm>>
      %dma_wait3A_68 = tpu.memref_slice %arg7[%select_n3A_53] : memref<2x!tpu.dma_semaphore, #tpu.memory_space<semaphore_mem>> -> memref<1x!tpu.dma_semaphore, #tpu.memory_space<semaphore_mem>>
      %dma_wait3A_69 = tpu.memref_squeeze %dma_wait3A_68 : memref<1x!tpu.dma_semaphore, #tpu.memory_space<semaphore_mem>> -> memref<!tpu.dma_semaphore, #tpu.memory_space<semaphore_mem>>
      tpu.wait_indirect_dma semaphore(%dma_wait3A_69 : memref<!tpu.dma_semaphore, #tpu.memory_space<semaphore_mem>>) src(%dma_wait3A_67 : memref<100000x128xf32, #tpu.memory_space<hbm>>) dst(%dma_wait3A_61 : memref<128x128xf32, #tpu.memory_space<vmem>>)
      %mul3A_70 = arith.constant 2 : i32
      %mul3A_71 = arith.muli %scan3A_39, %mul3A_70 : i32
      %add3A_72 = arith.constant 1 : i32
      %add3A_73 = arith.addi %mul3A_71, %add3A_72 : i32
      %dma_wait3A_74 = arith.constant 1 : i32
      %dma_wait3A_75 = arith.constant 0 : i32
      %dma_wait3A_76 = arith.constant 0 : i32
      %dma_wait3A_77 = tpu.memref_slice %arg6[%select_n3A_53, %dma_wait3A_74, %dma_wait3A_75, %dma_wait3A_76] : memref<2x2x128x128xf32, #tpu.memory_space<vmem>> -> memref<1x1x128x128xf32, #tpu.memory_space<vmem>>
      %dma_wait3A_78 = tpu.memref_squeeze %dma_wait3A_77 : memref<1x1x128x128xf32, #tpu.memory_space<vmem>> -> memref<128x128xf32, #tpu.memory_space<vmem>>
      %dma_wait3A_79 = arith.constant 0 : i32
      %dma_wait3A_80 = tpu.memref_slice %arg5[%add3A_73, %dma_wait3A_79] : memref<50x128xi32, #tpu.memory_space<vmem>> -> memref<1x128xi32, #tpu.memory_space<vmem>>
      %dma_wait3A_81 = tpu.memref_squeeze %dma_wait3A_80 : memref<1x128xi32, #tpu.memory_space<vmem>> -> memref<128xi32, #tpu.memory_space<vmem>>
      %dma_wait3A_82 = arith.constant 0 : i32
      %dma_wait3A_83 = arith.constant 0 : i32
      %dma_wait3A_84 = tpu.memref_slice %arg3[%dma_wait3A_82, %dma_wait3A_83] : memref<100000x128xf32, #tpu.memory_space<hbm>> -> memref<100000x128xf32, #tpu.memory_space<hbm>>
      %dma_wait3A_85 = tpu.memref_slice %arg7[%select_n3A_53] : memref<2x!tpu.dma_semaphore, #tpu.memory_space<semaphore_mem>> -> memref<1x!tpu.dma_semaphore, #tpu.memory_space<semaphore_mem>>
      %dma_wait3A_86 = tpu.memref_squeeze %dma_wait3A_85 : memref<1x!tpu.dma_semaphore, #tpu.memory_space<semaphore_mem>> -> memref<!tpu.dma_semaphore, #tpu.memory_space<semaphore_mem>>
      tpu.wait_indirect_dma semaphore(%dma_wait3A_86 : memref<!tpu.dma_semaphore, #tpu.memory_space<semaphore_mem>>) src(%dma_wait3A_84 : memref<100000x128xf32, #tpu.memory_space<hbm>>) dst(%dma_wait3A_78 : memref<128x128xf32, #tpu.memory_space<vmem>>)
      %jit3A_87 = arith.constant 2 : i32
      %eq3A_88 = arith.constant 0 : i32
      %eq3A_89 = arith.cmpi eq, %jit3A_87, %eq3A_88 : i32
      %jit3A_90 = arith.constant 1 : i32
      %select_n3A_91 = arith.select %eq3A_89, %jit3A_90, %jit3A_87 : i32
      %rem3A_92 = arith.remsi %scan3A_39, %select_n3A_91 : i32
      %ne3A_93 = arith.constant 0 : i32
      %ne3A_94 = arith.cmpi ne, %rem3A_92, %ne3A_93 : i32
      %lt3A_95 = arith.constant 0 : i32
      %lt3A_96 = arith.cmpi slt, %rem3A_92, %lt3A_95 : i32
      %lt3A_97 = arith.constant 0 : i32
      %lt3A_98 = arith.cmpi slt, %select_n3A_91, %lt3A_97 : i32
      %ne3A_99 = arith.xori %lt3A_96, %lt3A_98 : i1
      %and3A_100 = arith.andi %ne3A_99, %ne3A_94 : i1
      %add3A_101 = arith.addi %rem3A_92, %select_n3A_91 : i32
      %select_n3A_102 = arith.select %and3A_100, %add3A_101, %rem3A_92 : i32
      %mul3A_103 = arith.constant 2 : i32
      %mul3A_104 = arith.muli %scan3A_39, %mul3A_103 : i32
      %dma_start3A_105 = arith.constant 0 : i32
      %dma_start3A_106 = arith.constant 0 : i32
      %dma_start3A_107 = arith.constant 0 : i32
      %dma_start3A_108 = tpu.memref_slice %arg6[%select_n3A_102, %dma_start3A_105, %dma_start3A_106, %dma_start3A_107] : memref<2x2x128x128xf32, #tpu.memory_space<vmem>> -> memref<1x2x128x128xf32, #tpu.memory_space<vmem>>
      %dma_start3A_109 = tpu.memref_squeeze %dma_start3A_108 : memref<1x2x128x128xf32, #tpu.memory_space<vmem>> -> memref<2x128x128xf32, #tpu.memory_space<vmem>>
      %dma_start3A_110 = arith.constant 0 : i32
      %dma_start3A_111 = tpu.memref_slice %arg4[%mul3A_104, %mul3A_2, %dma_start3A_110] : memref<50x4096x128xf32, #tpu.memory_space<hbm>> -> memref<2x128x128xf32, #tpu.memory_space<hbm>>
      %dma_start3A_112 = tpu.memref_slice %arg8[%select_n3A_102] : memref<2x!tpu.dma_semaphore, #tpu.memory_space<semaphore_mem>> -> memref<1x!tpu.dma_semaphore, #tpu.memory_space<semaphore_mem>>
      %dma_start3A_113 = tpu.memref_squeeze %dma_start3A_112 : memref<1x!tpu.dma_semaphore, #tpu.memory_space<semaphore_mem>> -> memref<!tpu.dma_semaphore, #tpu.memory_space<semaphore_mem>>
      %dma_start3A_114 = arith.constant 0 : i32
      %dma_start3A_115 = tpu.memref_slice %arg4[%mul3A_104, %mul3A_2, %dma_start3A_114] : memref<50x4096x128xf32, #tpu.memory_space<hbm>> -> memref<2x128x128xf32, #tpu.memory_space<hbm>>
      %dma_start3A_116 = arith.constant 0 : i32
      %dma_start3A_117 = arith.constant 0 : i32
      %dma_start3A_118 = arith.constant 0 : i32
      %dma_start3A_119 = tpu.memref_slice %arg6[%select_n3A_102, %dma_start3A_116, %dma_start3A_117, %dma_start3A_118] : memref<2x2x128x128xf32, #tpu.memory_space<vmem>> -> memref<1x2x128x128xf32, #tpu.memory_space<vmem>>
      %dma_start3A_120 = tpu.memref_squeeze %dma_start3A_119 : memref<1x2x128x128xf32, #tpu.memory_space<vmem>> -> memref<2x128x128xf32, #tpu.memory_space<vmem>>
      tpu.enqueue_dma source(%dma_start3A_120 : memref<2x128x128xf32, #tpu.memory_space<vmem>>) target(%dma_start3A_115 : memref<2x128x128xf32, #tpu.memory_space<hbm>>) target_semaphore(%dma_start3A_113 : memref<!tpu.dma_semaphore, #tpu.memory_space<semaphore_mem>>)
      %jit3A_121 = arith.constant 2 : i32
      %eq3A_122 = arith.constant 0 : i32
      %eq3A_123 = arith.cmpi eq, %jit3A_121, %eq3A_122 : i32
      %jit3A_124 = arith.constant 1 : i32
      %select_n3A_125 = arith.select %eq3A_123, %jit3A_124, %jit3A_121 : i32
      %rem3A_126 = arith.remsi %scan3A_39, %select_n3A_125 : i32
      %ne3A_127 = arith.constant 0 : i32
      %ne3A_128 = arith.cmpi ne, %rem3A_126, %ne3A_127 : i32
      %lt3A_129 = arith.constant 0 : i32
      %lt3A_130 = arith.cmpi slt, %rem3A_126, %lt3A_129 : i32
      %lt3A_131 = arith.constant 0 : i32
      %lt3A_132 = arith.cmpi slt, %select_n3A_125, %lt3A_131 : i32
      %ne3A_133 = arith.xori %lt3A_130, %lt3A_132 : i1
      %and3A_134 = arith.andi %ne3A_133, %ne3A_128 : i1
      %add3A_135 = arith.addi %rem3A_126, %select_n3A_125 : i32
      %select_n3A_136 = arith.select %and3A_134, %add3A_135, %rem3A_126 : i32
      %mul3A_137 = arith.constant 2 : i32
      %mul3A_138 = arith.muli %scan3A_39, %mul3A_137 : i32
      %dma_wait3A_139 = arith.constant 0 : i32
      %dma_wait3A_140 = arith.constant 0 : i32
      %dma_wait3A_141 = arith.constant 0 : i32
      %dma_wait3A_142 = tpu.memref_slice %arg6[%select_n3A_136, %dma_wait3A_139, %dma_wait3A_140, %dma_wait3A_141] : memref<2x2x128x128xf32, #tpu.memory_space<vmem>> -> memref<1x2x128x128xf32, #tpu.memory_space<vmem>>
      %dma_wait3A_143 = tpu.memref_squeeze %dma_wait3A_142 : memref<1x2x128x128xf32, #tpu.memory_space<vmem>> -> memref<2x128x128xf32, #tpu.memory_space<vmem>>
      %dma_wait3A_144 = arith.constant 0 : i32
      %dma_wait3A_145 = tpu.memref_slice %arg4[%mul3A_138, %mul3A_2, %dma_wait3A_144] : memref<50x4096x128xf32, #tpu.memory_space<hbm>> -> memref<2x128x128xf32, #tpu.memory_space<hbm>>
      %dma_wait3A_146 = tpu.memref_slice %arg8[%select_n3A_136] : memref<2x!tpu.dma_semaphore, #tpu.memory_space<semaphore_mem>> -> memref<1x!tpu.dma_semaphore, #tpu.memory_space<semaphore_mem>>
      %dma_wait3A_147 = tpu.memref_squeeze %dma_wait3A_146 : memref<1x!tpu.dma_semaphore, #tpu.memory_space<semaphore_mem>> -> memref<!tpu.dma_semaphore, #tpu.memory_space<semaphore_mem>>
      %dma_wait3A_148 = arith.constant 0 : i32
      %dma_wait3A_149 = tpu.memref_slice %arg4[%mul3A_138, %mul3A_2, %dma_wait3A_148] : memref<50x4096x128xf32, #tpu.memory_space<hbm>> -> memref<2x128x128xf32, #tpu.memory_space<hbm>>
      %dma_wait3A_150 = arith.constant 0 : i32
      %dma_wait3A_151 = arith.constant 0 : i32
      %dma_wait3A_152 = arith.constant 0 : i32
      %dma_wait3A_153 = tpu.memref_slice %arg6[%select_n3A_136, %dma_wait3A_150, %dma_wait3A_151, %dma_wait3A_152] : memref<2x2x128x128xf32, #tpu.memory_space<vmem>> -> memref<1x2x128x128xf32, #tpu.memory_space<vmem>>
      %dma_wait3A_154 = tpu.memref_squeeze %dma_wait3A_153 : memref<1x2x128x128xf32, #tpu.memory_space<vmem>> -> memref<2x128x128xf32, #tpu.memory_space<vmem>>
      tpu.wait_dma2 semaphore(%dma_wait3A_147 : memref<!tpu.dma_semaphore, #tpu.memory_space<semaphore_mem>>) src(%dma_wait3A_154 : memref<2x128x128xf32, #tpu.memory_space<vmem>>) dst(%dma_wait3A_149 : memref<2x128x128xf32, #tpu.memory_space<hbm>>)
    }
    %scan3A_38 = arith.constant 25 : i32
    return
  }
}

</mosaic_0001>

<sc_bundles>
// kernel: kernel.3.cloned.1.call-start
scs
__scs_entry_jumppad:
0x0: {  	(pc) =	sbr.rel $0x88, $3  }
0x1: {  	(tag) =	ssettag $0x0;
	lr =	simm.s32 $0x1  }
0x2: {  	[smem:$0x3F9F] =	sst lr;
	_ =	strace $0xD0000000  }
0x3: {  	_ = 	snop  }
0x4: {  	_ = 	snop  }
0x5: {  	_ = 	snop  }
0x6: {  	_ = 	snop  }
0x7: {  	_ = 	snop  }
__scs_overlays_trampoline_lowered:
0x8: {  	[smem:$0x3FAE] =	sst s0  }
0x9: {  	[smem:$0x3FAF] =	sst s1  }
0xa: {  	[smem:$0x3FB0] =	sst s2  }
0xb: {  	[smem:$0x3FB1] =	sst s3  }
0xc: {  	[smem:$0x3FB2] =	sst s4  }
0xd: {  	[smem:$0x3FB3] =	sst s5  }
0xe: {  	[smem:$0x3FB4] =	sst s6  }
0xf: {  	[smem:$0x3FB5] =	sst s7  }
0x10: {  	[smem:$0x3FB6] =	sst s8  }
0x11: {  	[smem:$0x3FB7] =	sst s9;
	s0 =	simm.s32 @!p0 $0x0  }
0x12: {  	s1 =	sld [smem:$0x3F9D];
	s0 =	simm.s32 @p0 $0x1  }
0x13: {  	[smem:$0x3FB8] =	sst s0;
	s0 =	simm.s32 @!p1 $0x0  }
0x14: {  	s2 =	sld [smem:$0x3F9C];
	s0 =	simm.s32 @p1 $0x1  }
0x15: {  	[smem:$0x3FB9] =	sst s0;
	s0 =	simm.s32 @!p2 $0x0  }
0x16: {  	s3 =	sld [smem:$0x3FDB];
	s0 =	simm.s32 @p2 $0x1  }
0x17: {  	s4 =	simm.s32 $0x1BF5;
	[smem:$0x3FBB] =	sst s0  }
0x18: {  	s0 =	sld [smem:$0x3F9E];
	_ =	swait.ge [sflag:s4], $0x0  }
0x19: {  	s7 =	sld [smem:$0x3F9F]  }
0x1a: {  	s8 =	sadd.s32 $0xFFFFE003, lr  }
0x1b: {  	s9 =	sadd.s32 $0xFFFFFEF7, lr;
	s5 =	simm.s32 $0xFFFFFFFF;
	p2 =	slt.u32 s8, $0xFFFFF086  }
0x1c: {  	p1 =	slt.u32 s9, $0xF7A;
	s5 =	simm.s32 @!p2 $0x0  }
0x1d: {  	s5 =	simm.s32 @p1 $0x1;
	p0 =	seq.s32 s7, s2  }
0x1e: {  	s7 =	smul.u32 @!p0 $0xF7A, s2;
	p2 =	seq.s32 @!p0 s5, $0x0  }
0x1f: {  	s9 =	smul.u32 $0xF7A, s1;
	s8 =	simm.s32 @!p0 $0x1BF5;
	p2 =	por !p2, p0  }
0x20: {  	[sflag:s8] =	ssyncset.s32 @!p0 $0xFFFFF086;
	s6 =	sadd.s32 @!p0 s3, s7;
	s7 =	simm.s32 @!p0 $0x108  }
0x21: {  	s3 =	sadd.s32 s3, s9;
	s6 =	sadd.s32 @!p0 $0x88, s6;
	s7 =	simm.s32 @p2 $0x1082  }
0x22: {  	[simem:s7], [sflag:s8] =	dma.local @!p0 [hbm:s6], $0xF7A  }
0x23: {  	s9 =	sor.u32 $0xD0000000, s2;
	s6 =	simm.s32 $0x108;
	_ =	swait.ge @!p0 [sflag:s8], $0x0  }
0x24: {  	s3 =	sadd.s32 $0x88, s3;
	s6 =	simm.s32 @!p1 $0x1082;
	[sflag:s4] =	ssyncset.s32 $0xFFFFF086  }
0x25: {  	[simem:s6], [sflag:s4] =	dma.local [hbm:s3], $0xF7A  }
0x26: {  	[smem:$0x3F9F] =	sst s1;
	(tag) =	ssettag s2;
	_ =	strace s9  }
0x27: {  	s1 =	sld [smem:$0x3FAF]  }
0x28: {  	s2 =	sld [smem:$0x3FB0]  }
0x29: {  	s4 =	sld [smem:$0x3FB2]  }
0x2a: {  	p0 =	seq.s32 s5, $0x0;
	s5 =	sld [smem:$0x3FB3]  }
0x2b: {  	s6 =	sld [smem:$0x3FB4]  }
0x2c: {  	s7 =	sld [smem:$0x3FB5]  }
0x2d: {  	s3 =	simm.s32 $0x108;
	s8 =	sld [smem:$0x3FB6]  }
0x2e: {  	s3 =	simm.s32 @!p0 $0x1082;
	s9 =	sld [smem:$0x3FB7]  }
0x2f: {  	lr =	sadd.s32 s0, s3;
	s0 =	sld [smem:$0x3FAE]  }
0x30: {  	s3 =	sld [smem:$0x3FB1]  }
0x31: {  	[smem:$0x3FBA] =	sst s10  }
0x32: {  	s10 =	sld [smem:$0x3FB8];
	_ =	sdelay $0x3  }
0x33: {  	p0 =	seq.s32 s10, $0x1;
	s10 =	sld [smem:$0x3FBA];
	_ =	sdelay $0x3  }
0x34: {  	[smem:$0x3FBA] =	sst s10  }
0x35: {  	s10 =	sld [smem:$0x3FB9];
	_ =	sdelay $0x3  }
0x36: {  	p1 =	seq.s32 s10, $0x1;
	s10 =	sld [smem:$0x3FBA];
	_ =	sdelay $0x3  }
0x37: {  	[smem:$0x3FBA] =	sst s10  }
0x38: {  	s10 =	sld [smem:$0x3FBB]  }
0x39: {  	_ = 	snop;
	(pc) =	sbr.ind lr, $3  }
0x3a: {  	_ = 	snop  }
0x3b: {  	_ = 	snop  }
0x3c: {  	p2 =	seq.s32 s10, $0x1;
	s10 =	sld [smem:$0x3FBA]  }
0x3d: {  	_ =	shalt  }
0x3e: {  	_ =	shalt  }
0x3f: {  	_ =	shalt  }
0x40: {  	_ =	shalt  }
0x41: {  	_ =	shalt  }
0x42: {  	_ =	shalt  }
0x43: {  	_ =	shalt  }
0x44: {  	_ =	shalt  }
0x45: {  	_ =	shalt  }
0x46: {  	_ =	shalt  }
0x47: {  	_ =	shalt  }
0x48: {  	_ =	shalt  }
0x49: {  	_ =	shalt  }
0x4a: {  	_ =	shalt  }
0x4b: {  	_ =	shalt  }
0x4c: {  	_ =	shalt  }
0x4d: {  	_ =	shalt  }
0x4e: {  	_ =	shalt  }
0x4f: {  	_ =	shalt  }
0x50: {  	_ =	shalt  }
0x51: {  	_ =	shalt  }
0x52: {  	_ =	shalt  }
0x53: {  	_ =	shalt  }
0x54: {  	_ =	shalt  }
0x55: {  	_ =	shalt  }
0x56: {  	_ =	shalt  }
0x57: {  	_ =	shalt  }
0x58: {  	_ =	shalt  }
0x59: {  	_ =	shalt  }
0x5a: {  	_ =	shalt  }
0x5b: {  	_ =	shalt  }
0x5c: {  	_ =	shalt  }
0x5d: {  	_ =	shalt  }
0x5e: {  	_ =	shalt  }
0x5f: {  	_ =	shalt  }
0x60: {  	_ =	shalt  }
0x61: {  	_ =	shalt  }
0x62: {  	_ =	shalt  }
0x63: {  	_ =	shalt  }
0x64: {  	_ =	shalt  }
0x65: {  	_ =	shalt  }
0x66: {  	_ =	shalt  }
0x67: {  	_ =	shalt  }
0x68: {  	_ =	shalt  }
0x69: {  	_ =	shalt  }
0x6a: {  	_ =	shalt  }
0x6b: {  	_ =	shalt  }
0x6c: {  	_ =	shalt  }
0x6d: {  	_ =	shalt  }
0x6e: {  	_ =	shalt  }
0x6f: {  	_ =	shalt  }
0x70: {  	_ =	shalt  }
0x71: {  	_ =	shalt  }
0x72: {  	_ =	shalt  }
0x73: {  	_ =	shalt  }
0x74: {  	_ =	shalt  }
0x75: {  	_ =	shalt  }
0x76: {  	_ =	shalt  }
0x77: {  	_ =	shalt  }
0x78: {  	_ =	shalt  }
0x79: {  	_ =	shalt  }
0x7a: {  	_ =	shalt  }
0x7b: {  	_ =	shalt  }
0x7c: {  	_ =	shalt  }
0x7d: {  	_ =	shalt  }
0x7e: {  	_ =	shalt  }
0x7f: {  	_ =	shalt  }
0x80: {  	_ =	shalt  }
0x81: {  	_ =	shalt  }
0x82: {  	_ =	shalt  }
0x83: {  	_ =	shalt  }
0x84: {  	_ =	shalt  }
0x85: {  	_ =	shalt  }
0x86: {  	_ =	shalt  }
0x87: {  	_ =	shalt  }
.Lfunc_end0:
.L_simem_size_0:
called_computation_lowered:
.L_overlay_start_0:
0x88: {  	s2 =	sld [smem:$0x3FD9]  }
0x89: {  	s3 =	sld [smem:$0x3FFE];
	_ =	sdelay $0x1  }
0x8a: {  	s1 =	srdreg.scid  }
0x8b: {  	s0 =	sand.u32 $0x1, s1  }
0x8c: {  	s18 =	sshll.u32 s0, $0xA;
	s2 =	sadd.s32 s3, s2  }
0x8d: {  	s2 =	sadd.s32 s2, s18  }
0x8e: {  	[smem:$0x3FC6] =	sst s2  }
0x8f: {  	_ = 	snop  }
0x90: {  	s2 =	sld [smem:$0x3FC9]  }
0x91: {  	s19 =	sld [smem:$0x3FC8]  }
0x92: {  	s4 =	sld [smem:$0x3FD0];
	(tm) =	ssettm $0x1  }
0x93: {  	s5 =	sld [smem:$0x3FFB];
	_ =	sdelay $0x3  }
0x94: {  	_ =	strace s5  }
0x95: {  	s5 =	sld [smem:$0x3FFC];
	_ =	sdelay $0x3  }
0x96: {  	_ =	strace s5  }
0x97: {  	s5 =	sld [smem:$0x3FFD];
	_ =	sdelay $0x3  }
0x98: {  	_ =	strace s5  }
0x99: {  	_ =	strace $0x8FFFFFFF  }
0x9a: {  	s20 =	sld [smem:$0x3FDB];
	_ =	sdelay $0x1  }
0x9b: {  	s6 =	simm.s32 $_scs_section_size  }
0x9c: {  	s7 =	simm.s32 $_size__tile_overlayer_lowered;
	s8 =	simm.s32 $_tile_overlayer_lowered  }
0x9d: {  	s23 =	simm.s32 $0x1BFF;
	s22 =	sshll.u32 s8, $0x1;
	s5 =	sadd.s32 s6, s20  }
0x9e: {  	s9 =	simm.s32 $0x0;
	s21 =	sshll.u32 s7, $0x1;
	s7 =	sadd.s32 s22, s5  }
0x9f: {  	[timem:s9], [sflag:s23] =	dma.local [hbm:s7], s21  }
0xa0: {  	_ =	swait.ge [sflag:s23], s21  }
0xa1: {  	s6 =	ssub.s32 $0x0, s21;
	[sflag:s23] =	ssyncset.done $0x0  }
0xa2: {  	[sflag:s23] =	ssyncadd.s32 s6;
	_ =	sdelay $0x1  }
0xa3: {  	s24 =	simm.s32 $0x1B8B  }
0xa4: {  	_ =	swait.ge [sflag:s24], $0x1  }
0xa5: {  	[sflag:s24] =	ssyncset.done $0x0  }
0xa6: {  	s25 =	simm.s32 $0x1B8E;
	[sflag:s24] =	ssyncadd.s32 $0xFFFFFFFF  }
0xa7: {  	s26 =	simm.s32 $execute0_lowered;
	[smem:$0x3FD2] =	sst s25  }
0xa8: {  	s6 =	sshll.u32 s26, $0x1;
	_ =	strace $0x80000046;
	[dreg:$0x1] =	wrdreg $0xFFFFFFFF  }
0xa9: {  	s28 =	simm.s32 $_size_execute0_lowered;
	s5 =	sadd.s32 s5, s6;
	[dreg:$0x0] =	wrdreg $0x0  }
0xaa: {  	s6 =	sshll.u32 s28, $0x1;
	[dreg:$0x2] =	wrdreg s5  }
0xab: {  	[dreg:$0x3] =	wrdreg s6  }
0xac: {  	[dreg:$0x4] =	wrdreg $0xC0  }
0xad: {  	_ =	task [dreg:s9], $0x5FFFF  }
0xae: {  	[dreg:$0x1] =	wrdreg $0xFFFFFFFF  }
0xaf: {  	[dreg:$0x0] =	wrdreg $0x60  }
0xb0: {  	[dreg:$0x2] =	wrdreg s2  }
0xb1: {  	[dreg:$0x3] =	wrdreg s19  }
0xb2: {  	[dreg:$0x4] =	wrdreg s4  }
0xb3: {  	[dreg:$0x5] =	wrdreg $0x9  }
0xb4: {  	_ =	task.clear_ibuf [dreg:s9], $0x6FFFF;
	_ =	strace $0x90000046  }
0xb5: {  	s29 =	simm.s32 $0x9;
	_ =	strace $0x80000048  }
0xb6: {  	_ =	swait.ge [sflag:s29], $0x1  }
0xb7: {  	[sflag:s29] =	ssyncadd.s32 $0xFFFFFFFF  }
0xb8: {  	_ =	strace $0x90000048  }
0xb9: {  	_ =	sfence  }
0xba: {  	s30 =	sld [smem:$0x0];
	_ =	sdelay $0x2  }
0xbb: {  	s31 =	sshll.u32 s1, $0xD;
	s1 =	sshrl.u32 s1, $0x2  }
0xbc: {  	s3 =	sand.u32 $0x4000, s31;
	s1 =	sadd.s32 s1, s30  }
0xbd: {  	s0 =	sor.u32 s3, s0;
	s1 =	sshll.u32 s1, $0x11  }
0xbe: {  	s0 =	sor.u32 s1, s0  }
0xbf: {  	s0 =	sadd.s32 $0x8F2B, s0  }
0xc0: {  	[sflag:s0] =	ssyncadd.remote.s32 $0x1  }
0xc1: {  	_ =	sfence.sel $0xFFFF  }
0xc2: {  	[dreg:$0x0] =	wrdreg $0xFFFFFFFF;
	(pc) =	sbr.abs _section_cstart, $3  }
0xc3: {  	[dreg:$0x1] =	wrdreg $0xFFFFFFFF  }
0xc4: {  	_ =	task.clear_ibuf [dreg:s9], $0x2FFFF;
	_ =	strace $0x9FFFFFFF  }
0xc5: {  	(tm) =	ssettm $0x7FFFFFFF  }
tec
execute0_lowered:
.L_overlay_start_1:
0x0: {  	(tag) =	ssettag $0x1  }
0x1: {  	s4 =	rddreg [dreg:$0x0]  }
0x2: {  	s1 =	rddreg [dreg:$0x1]  }
0x3: {  	s6 =	rddreg [dreg:$0x2]  }
0x4: {  	s0 =	rddreg [dreg:$0x3];
	s5 =	srdreg.scid  }
0x5: {  	s3 =	simm.s32 $0x0;
	s2 =	stileid.u32;
	s12 =	simm.s32 $0x5  }
0x6: {  	s13 =	simm.s32 $0x80;
	s14 =	simm.s32 $0x1C00;
	s15 =	simm.s32 $0x5C00  }
0x7: {  	s16 =	simm.s32 $0x4000;
	s17 =	simm.s32 $0x80000;
	s18 =	simm.s32 $0x1  }
0x8: {  	s19 =	simm.s32 $0x3;
	s20 =	simm.s32 $0x0;
	s7 =	sand.u32 $0x1, s5  }
0x9: {  	s8 =	sshll.u32 s2, $0x8;
	[smem:$0x7FF] =	sst s3;
	s31 =	sshll.u32 s2, $0xC  }
0xa: {  	s5 =	ssub.s32 $0x2, s7;
	s9 =	sshll.u32 s7, $0x7;
	_ =	strace $0x80000047  }
0xb: {  	s11 =	sshll.u32 s7, $0xB;
	s10 =	sshrl.u32 s5, $0x1;
	s8 =	sor.u32 s9, s8  }
0xc: {  	s9 =	simm.s32 $0x400;
	s4 =	sadd.s32 s4, s8;
	s8 =	sshll.u32 s8, $0x4  }
0xd: {  	s30 =	ssub.s32 s5, s10;
	s10 =	sadd.s32 s31, s6;
	s8 =	sadd.s32 s6, s8  }
0xe: {  	s5 =	sadd.s32 $0x6000, s4;
	s6 =	smax.u32 s30, $0x1;
	s7 =	sadd.s32 $0x300000, s8  }
0xf: {  	s8 =	sadd.s32 s11, s10;
	s10 =	simm.s32 $0x8000;
	s11 =	simm.s32 $0x1800  }
.LBB2_1:
0x10: {  	[tilespmem:s3], [sflag:$0x5] =	stream.strided.gather [hbm4b:s4+s9], $0x1800, s10, s9, $0x38;
	[tilespmem:$0x11C00] =	vst v63  }
0x11: {  	_ = 	snop  }
0x12: {  	[tilespmem:s11], [sflag:$0x5] =	stream.linear.gather [hbm4b:s5+s3], $0x100, $0x38;
	[tilespmem:$0x11C00] =	vst v63  }
0x13: {  	_ =	swait.ge [sflag:s12], $0x1900  }
0x14: {  	s24 =	simm.s32 $0x1;
	[sflag:s12] =	ssyncset.done $0x0  }
0x15: {  	s21 =	sand.u32 $0x1, s24;
	[sflag:s12] =	ssyncadd.s32 $0xFFFFE700  }
0x16: {  	[tilespmem:s14], [sflag:$0x1] =	stream.indirect.gather [hbm4b:s1+s13], $0x80, s3, s13, $0xb8;
	[tilespmem:$0x11C00] =	vst v63  }
0x17: {  	s23 =	simm.s32 $0x100;
	s22 =	sshll.u32 s21, $0xF  }
0x18: {  	[tilespmem:s15], [sflag:$0x1] =	stream.indirect.gather [hbm4b:s1+s13], $0x80, s13, s13, $0xb8;
	[tilespmem:$0x11C00] =	vst v63  }
0x19: {  	s30 =	sand.u32 $0x1, s3;
	s26 =	sadd.s32 $0x1, s21;
	s25 =	sor.u32 $0x1C00, s22  }
0x1a: {  	[tilespmem:s25], [sflag:s26] =	stream.indirect.gather [hbm4b:s1+s13], $0x80, s23, s13, $0xb8;
	[tilespmem:$0x11C00] =	vst v63  }
0x1b: {  	s21 =	simm.s32 $0x180;
	s22 =	sor.u32 $0x5C00, s22;
	s25 =	sadd.s32 $0x1, s30  }
0x1c: {  	[tilespmem:s22], [sflag:s26] =	stream.indirect.gather [hbm4b:s1+s13], $0x80, s21, s13, $0xb8;
	[tilespmem:$0x11C00] =	vst v63  }
0x1d: {  	_ =	swait.ge [sflag:s25], $0x4000  }
0x1e: {  	[sflag:s25] =	ssyncset.done $0x0  }
0x1f: {  	[sflag:s25] =	ssyncadd.s32 $0xFFFFC000  }
0x20: {  	s31 =	sshll.u32 s30, $0xF;
	s23 =	sadd.s32 $0x3, s30;
	_ =	swait.ge [sflag:s25], $0x4000  }
0x21: {  	s26 =	sor.u32 $0x1C00, s31;
	s22 =	smov.u32 s8;
	[sflag:s25] =	ssyncset.done $0x0  }
.LBB2_2:
0x22: {  	[sflag:s25] =	ssyncadd.s32 $0xFFFFC000  }
0x23: {  	s21 =	sadd.s32 $0x100, s21;
	s25 =	smov.u32 s24;
	s28 =	sadd.s32 $0x1, s24  }
0x24: {  	[hbm4b:s22+s16] =	stream.strided.scatter [tilespmem:s26], [sflag:s23], $0x8000, s17, s16, $0x38;
	[tilespmem:$0x11C00] =	vst v63  }
0x25: {  	s26 =	sand.u32 $0x1, s28;
	s29 =	sadd.s32 $0xFFFFFF80, s21;
	_ =	swait.ge [sflag:s23], $0x8000  }
0x26: {  	p0 =	sne.s32 s24, $0x17;
	s30 =	sshll.u32 s26, $0xF;
	[sflag:s23] =	ssyncset.done $0x0  }
0x27: {  	s26 =	sadd.s32 $0x1, s26;
	s24 =	sor.u32 $0x1C00, s30;
	[sflag:s23] =	ssyncadd.s32 $0xFFFF8000  }
0x28: {  	[tilespmem:s24], [sflag:s26] =	stream.indirect.gather [hbm4b:s1+s13], $0x80, s29, s13, $0xb8;
	[tilespmem:$0x11C00] =	vst v63  }
0x29: {  	s23 =	sor.u32 $0x5C00, s30;
	s24 =	sand.u32 $0x1, s25  }
0x2a: {  	[tilespmem:s23], [sflag:s26] =	stream.indirect.gather [hbm4b:s1+s13], $0x80, s21, s13, $0xb8;
	[tilespmem:$0x11C00] =	vst v63  }
0x2b: {  	s25 =	sadd.s32 $0x1, s24;
	s26 =	sshll.u32 s24, $0xF;
	s23 =	sadd.s32 $0x3, s24  }
.Ltmp0:
0x2c: {  	s26 =	sor.u32 $0x1C00, s26;
	_ =	swait.ge [sflag:s25], $0x4000;
	(pc) =	sbr.rel @p0 .LBB2_2-.Ltmp0, $4  }
0x2d: {  	[sflag:s25] =	ssyncset.done $0x0  }
0x2e: {  	[sflag:s25] =	ssyncadd.s32 $0xFFFFC000  }
0x2f: {  	s22 =	sadd.s32 $0x20000, s22;
	_ =	swait.ge [sflag:s25], $0x4000  }
0x30: {  	s24 =	smov.u32 s28;
	[sflag:s25] =	ssyncset.done $0x0  }
0x31: {  	[sflag:s25] =	ssyncadd.s32 $0xFFFFC000  }
0x32: {  	[hbm4b:s22+s16] =	stream.strided.scatter [tilespmem:s26], [sflag:s23], $0x8000, s17, s16, $0x38;
	[tilespmem:$0x11C00] =	vst v63  }
0x33: {  	_ =	swait.ge [sflag:s23], $0x8000  }
0x34: {  	[sflag:s23] =	ssyncset.done $0x0  }
0x35: {  	[sflag:s23] =	ssyncadd.s32 $0xFFFF8000  }
0x36: {  	_ =	swait.ge [sflag:s18], $0x4000  }
0x37: {  	[sflag:s18] =	ssyncset.done $0x0  }
0x38: {  	[sflag:s18] =	ssyncadd.s32 $0xFFFFC000  }
0x39: {  	s20 =	sadd.s32 $0x1, s20;
	_ =	swait.ge [sflag:s18], $0x4000  }
0x3a: {  	p0 =	sne.s32 s20, s6;
	[sflag:s18] =	ssyncset.done $0x0  }
.Ltmp1:
0x3b: {  	[sflag:s18] =	ssyncadd.s32 $0xFFFFC000;
	(pc) =	sbr.rel @p0 .LBB2_1-.Ltmp1, $4  }
0x3c: {  	[hbm4b:s7+s16] =	stream.strided.scatter [tilespmem:s14], [sflag:$0x3], $0x8000, s17, s16, $0x38;
	[tilespmem:$0x11C00] =	vst v63  }
0x3d: {  	_ =	swait.ge [sflag:s19], $0x8000  }
0x3e: {  	[sflag:s19] =	ssyncset.done $0x0  }
0x3f: {  	[sflag:s19] =	ssyncadd.s32 $0xFFFF8000  }
0x40: {  	_ =	sfence.sel $0x180000  }
0x41: {  	[bflag:$0x0] =	sbarrier.arrive $0xFFFF  }
0x42: {  	p0 =	sne.s32 s2, $0x0;
	_ =	strace $0x90000047  }
0x43: {  	s0 =	sadd.s32 @!p0 $0x100000, s0;
	[bflag:$0x2] =	sbarrier.arrive $0xFFFF  }
0x44: {  	[sflag:s0] =	ssyncadd.tile.s32 @!p0 $0x1;
	_ =	shalt  }
.Lfunc_end2:
_tile_overlayer_lowered:
.L_overlay_start_2:
0x45: {  	(tag) =	ssettag $0x2  }
0x46: {  	s0 =	rddreg [dreg:$0x0];
	s2 =	stileid.u32  }
0x47: {  	s1 =	rddreg [dreg:$0x1];
	p0 =	sne.s32 s2, $0x0  }
0x48: {  	s3 =	rddreg [dreg:$0x2];
	[bflag:$0x3] =	sbarrier.arrive $0xFFFF;
	s2 =	simm.s32 @!p0 $0x1C05  }
0x49: {  	[timem:s3], [sflag:s2] =	dma.local @!p0 [hbm:s0], s1  }
0x4a: {  	s0 =	simm.s32 @!p0 $0x5  }
0x4b: {  	_ =	swait.ge @!p0 [sflag:s0], s1  }
0x4c: {  	s1 =	ssub.s32 @!p0 $0x0, s1;
	[sflag:s0] =	ssyncset.done @!p0 $0x0  }
0x4d: {  	[sflag:s0] =	ssyncadd.s32 @!p0 s1  }
0x4e: {  	[bflag:$0x3] =	sbarrier.arrive $0xFFFF  }
0x4f: {  	_ =	shalt  }

</sc_bundles>
